<compile_context>
chip_gen: v7x
topology: tpu7x:2x2x1
jax: 0.10.2.dev20260603
libtpu: 0.0.44.dev20260713+nightly
codegen_flags: <defaults>
</compile_context>

<pallas_src>
import functools

import jax
import jax.numpy as jnp
from jax import lax
from jax.experimental import pallas as pl
from jax.experimental.pallas import tpu as pltpu
from jax.experimental.pallas import tpu_sc as plsc


def _idx_body(tgt_ref, maskT_ref, idsT_ref, gidx_ref, mout_ref, tval_ref,
              *, A, L):
    n = pl.program_id(0)

    @pl.when(n == 0)
    def _():
        ids = idsT_ref[...]
        t0, t1, t2 = tgt_ref[0], tgt_ref[1], tgt_ref[2]
        tm = (ids == t0) | (ids == t1) | (ids == t2)
        aidx = lax.broadcasted_iota(jnp.int32, tm.shape, 0)
        tval_ref[...] = jnp.where(tm, aidx, jnp.int32(A + 1))

    m = maskT_ref[0]
    cand = jnp.where(m, tval_ref[...], jnp.int32(A + 1))
    first = jnp.min(cand, axis=0, keepdims=True)
    valid = first <= jnp.int32(A - 1)
    l = lax.broadcasted_iota(jnp.int32, (1, L), 1)
    base = (n * L + l) * A
    gidx_ref[0] = 3 * (base + jnp.where(valid, first, 0))
    mout_ref[0] = valid.astype(jnp.float32)


def _compute_indices(mask_atoms, atom_name_ids, target_ids):
    N, L, A = mask_atoms.shape
    maskT = jnp.transpose(mask_atoms, (0, 2, 1))
    idsT = atom_name_ids.T
    gidx, mout = pl.pallas_call(
        functools.partial(_idx_body, A=A, L=L),
        grid=(N,),
        in_specs=[
            pl.BlockSpec(memory_space=pltpu.SMEM),
            pl.BlockSpec((1, A, L), lambda n: (n, 0, 0)),
            pl.BlockSpec((A, L), lambda n: (0, 0)),
        ],
        out_specs=[
            pl.BlockSpec((1, 1, L), lambda n: (n, 0, 0)),
            pl.BlockSpec((1, 1, L), lambda n: (n, 0, 0)),
        ],
        out_shape=[
            jax.ShapeDtypeStruct((N, 1, L), jnp.int32),
            jax.ShapeDtypeStruct((N, 1, L), jnp.float32),
        ],
        scratch_shapes=[pltpu.VMEM((A, L), jnp.int32)],
    )(target_ids, maskT, idsT)
    return gidx.reshape(N * L), mout.reshape(N, L)


_CH = 128


def _sc_gather3(pos_1d, idx_flat):
    NL = idx_flat.shape[0]
    mesh = plsc.VectorSubcoreMesh(core_axis_name="c", subcore_axis_name="s")
    nw = mesh.num_cores * mesh.num_subcores
    b = NL // nw
    nch = b // _CH

    @functools.partial(
        pl.kernel,
        mesh=mesh,
        out_type=jax.ShapeDtypeStruct((3 * NL,), jnp.float32),
        scratch_types=[
            pltpu.VMEM((b,), jnp.int32),
            pltpu.VMEM((b,), jnp.int32),
            pltpu.VMEM((b,), jnp.int32),
            pltpu.VMEM((b,), jnp.float32),
            pltpu.VMEM((b,), jnp.float32),
            pltpu.VMEM((b,), jnp.float32),
            pltpu.SemaphoreType.DMA,
        ],
        compiler_params=pltpu.CompilerParams(use_tc_tiling_on_sc=False),
    )
    def k(pos_hbm, idx_hbm, out_hbm, i0, i1, i2, v0, v1, v2, sem):
        wid = lax.axis_index("s") * mesh.num_cores + lax.axis_index("c")
        base = wid * b
        pltpu.sync_copy(idx_hbm.at[pl.ds(base, b)], i0)

        @pl.loop(0, b, step=16)
        def _(i):
            g = i0[pl.ds(i, 16)]
            i1[pl.ds(i, 16)] = g + 1
            i2[pl.ds(i, 16)] = g + 2

        pairs = ((i0, v0), (i1, v1), (i2, v2))
        for iv, vv in pairs:
            @pl.loop(0, nch)
            def _issue(ci, iv=iv, vv=vv):
                o = ci * _CH
                pltpu.async_copy(pos_hbm.at[iv.at[pl.ds(o, _CH)]],
                                 vv.at[pl.ds(o, _CH)], sem)

        for iv, vv in pairs:
            @pl.loop(0, nch)
            def _drain(ci, iv=iv, vv=vv):
                o = ci * _CH
                pltpu.make_async_copy(pos_hbm.at[iv.at[pl.ds(o, _CH)]],
                                      vv.at[pl.ds(o, _CH)], sem).wait()

        pltpu.sync_copy(v0, out_hbm.at[pl.ds(base, b)])
        pltpu.sync_copy(v1, out_hbm.at[pl.ds(NL + base, b)])
        pltpu.sync_copy(v2, out_hbm.at[pl.ds(2 * NL + base, b)])

    return k(pos_1d, idx_flat)


def kernel(pos_atoms, mask_atoms, atom_name_ids, target_ids):
    N, L, A, _ = pos_atoms.shape
    gidx, mout = _compute_indices(mask_atoms, atom_name_ids, target_ids)
    raw = _sc_gather3(pos_atoms.reshape(N * L * A * 3), gidx)
    pos_out = jnp.transpose(raw.reshape(3, N, L), (1, 2, 0)) * mout[:, :, None]
    return pos_out, mout

# --- scband reference (transcript-rebuilt; emitter-appended) ---
"""Pipeline reference for scband-atom-selector-86535001080387 (READ-ONLY COPY).

The authoritative reference and input builder live on the scoring server;
editing this copy changes nothing except your own understanding.
"""

import jax, jax.numpy as jnp
import numpy as np


def setup_inputs(seed: int = 0) -> dict:
    key = jax.random.key(seed)
    k1, k2, k3 = jax.random.split(key, 3)
    N, L, A = 64, 4096, 37
    pos_atoms = jax.random.normal(k1, (N, L, A, 3), dtype=jnp.float32)
    mask_atoms = jax.random.randint(k2, (N, L, A), 0, 2).astype(bool)
    # atom names encoded as int ids in [0, 37); target atoms ('N','CA','C') are ids 0,1,2
    atom_name_ids = jax.random.randint(k3, (L, A), 0, 37).astype(jnp.int32)
    target_ids = jnp.arange(3, dtype=jnp.int32)
    return {
        "pos_atoms": pos_atoms,
        "mask_atoms": mask_atoms,
        "atom_name_ids": atom_name_ids,
        "target_ids": target_ids,
    }


def reference(pos_atoms, mask_atoms, atom_name_ids, target_ids):
    # target_mask[i, j] = atom_names[i][j] in target_atoms
    target_mask = (atom_name_ids[:, :, None] == target_ids[None, None, :]).any(axis=-1)  # (L, A)
    selected_pos = pos_atoms * target_mask[None, :, :, None].astype(pos_atoms.dtype)  # (N, L, A, 3)
    selected_mask = jnp.logical_and(mask_atoms, target_mask[None, :, :])  # (N, L, A)
    # first valid atom index per (n, i): argmax over A picks first True
    first_idx = jnp.argmax(selected_mask, axis=2)  # (N, L)
    any_valid = selected_mask.any(axis=2)  # (N, L)
    pos_sel = jnp.take_along_axis(selected_pos, first_idx[:, :, None, None], axis=2)
    pos_sel = jnp.squeeze(pos_sel, axis=2)  # (N, L, 3)
    pos_out = pos_sel * any_valid[:, :, None].astype(pos_sel.dtype)
    mask_out = any_valid.astype(jnp.float32)
    return (pos_out, mask_out)

if __name__ == "__main__":
    import jax
    _d = setup_inputs()
    print(jax.jit(kernel)(*tuple(_d.values())))

</pallas_src>

<mosaic_0001>
#map = affine_map<(d0, d1) -> (0)>
module attributes {stable_mosaic.version = 14 : i64} {
  func.func @k(%arg0: i32, %arg1: i32, %arg2: memref<29097984xf32, #tpu.memory_space<hbm>>, %arg3: memref<262144xi32, #tpu.memory_space<hbm>>, %arg4: memref<786432xf32, #tpu.memory_space<hbm>>, %arg5: memref<8192xi32, #tpu.memory_space<vmem>>, %arg6: memref<8192xi32, #tpu.memory_space<vmem>>, %arg7: memref<8192xi32, #tpu.memory_space<vmem>>, %arg8: memref<8192xf32, #tpu.memory_space<vmem>>, %arg9: memref<8192xf32, #tpu.memory_space<vmem>>, %arg10: memref<8192xf32, #tpu.memory_space<vmem>>, %arg11: memref<!tpu.dma_semaphore, #tpu.memory_space<semaphore_mem>>) attributes {dimension_semantics = [#tpu.dimension_semantics<core_parallel>, #tpu.dimension_semantics<subcore_parallel>], iteration_bounds = array<i64: 2, 16>, scalar_prefetch = 0 : i64, scratch_operands = 7 : i64, tpu.core_type = #tpu.core_type<sc_vector_subcore>, window_params = [{transform_indices = #map}, {transform_indices = #map}, {transform_indices = #map}]} {
    %mul3A = arith.constant 2 : i32
    %mul3A_0 = arith.muli %arg1, %mul3A : i32
    %add3A = arith.addi %mul3A_0, %arg0 : i32
    %mul3A_1 = arith.constant 8192 : i32
    %mul3A_2 = arith.muli %add3A, %mul3A_1 : i32
    "tpu.region"() ({
      %run_scoped3A = tpu.sem_alloc : memref<!tpu.dma_semaphore, #tpu.memory_space<semaphore_mem>>
      %dma_start3A = tpu.memref_slice %arg3[%mul3A_2] : memref<262144xi32, #tpu.memory_space<hbm>> -> memref<8192xi32, #tpu.memory_space<hbm>>
      %dma_start3A_41 = tpu.memref_slice %arg3[%mul3A_2] : memref<262144xi32, #tpu.memory_space<hbm>> -> memref<8192xi32, #tpu.memory_space<hbm>>
      tpu.enqueue_dma source(%dma_start3A_41 : memref<8192xi32, #tpu.memory_space<hbm>>) target(%arg5 : memref<8192xi32, #tpu.memory_space<vmem>>) target_semaphore(%run_scoped3A : memref<!tpu.dma_semaphore, #tpu.memory_space<semaphore_mem>>)
      %dma_wait3A = tpu.memref_slice %arg3[%mul3A_2] : memref<262144xi32, #tpu.memory_space<hbm>> -> memref<8192xi32, #tpu.memory_space<hbm>>
      %dma_wait3A_42 = tpu.memref_slice %arg3[%mul3A_2] : memref<262144xi32, #tpu.memory_space<hbm>> -> memref<8192xi32, #tpu.memory_space<hbm>>
      tpu.wait_dma2 semaphore(%run_scoped3A : memref<!tpu.dma_semaphore, #tpu.memory_space<semaphore_mem>>) src(%dma_wait3A_42 : memref<8192xi32, #tpu.memory_space<hbm>>) dst(%arg5 : memref<8192xi32, #tpu.memory_space<vmem>>)
      tpu.yield
    }) : () -> ()
    %scan3A = arith.constant 0 : i32
    %scan3A_3 = arith.constant 512 : i32
    %scan3A_4 = arith.addi %scan3A, %scan3A_3 : i32
    %scan3A_5 = arith.constant 1 : i32
    scf.for %scan3A_41 = %scan3A to %scan3A_4 step %scan3A_5  : i32 {
      %mul3A_42 = arith.constant 16 : i32
      %mul3A_43 = arith.muli %scan3A_41, %mul3A_42 : i32
      %add3A_44 = arith.constant 0 : i32
      %add3A_45 = arith.addi %add3A_44, %mul3A_43 : i32
      %get3A = arith.index_cast %add3A_45 : i32 to index
      %get3A_46 = tpu.vector_load %arg5[%get3A] {strides = array<i32>} : memref<8192xi32, #tpu.memory_space<vmem>>, vector<16xi32>,
      %get3A_47 = vector.shape_cast %get3A_46 : vector<16xi32> to vector<16xi32>
      %add3A_48 = arith.constant 1 : i32
      %add3A_49 = vector.broadcast %add3A_48 : i32 to vector<16xi32>
      %add3A_50 = arith.addi %get3A_47, %add3A_49 : vector<16xi32>
      %swap3A = arith.index_cast %add3A_45 : i32 to index
      %swap3A_51 = tpu.vector_load %arg6[%swap3A] {strides = array<i32>} : memref<8192xi32, #tpu.memory_space<vmem>>, vector<16xi32>,
      %swap3A_52 = vector.shape_cast %swap3A_51 : vector<16xi32> to vector<16xi32>
      %swap3A_53 = vector.shape_cast %add3A_50 : vector<16xi32> to vector<16xi32>
      tpu.vector_store %arg6[%swap3A], %swap3A_53 {strides = array<i32>} : memref<8192xi32, #tpu.memory_space<vmem>>, vector<16xi32>,
      %add3A_54 = arith.constant 2 : i32
      %add3A_55 = vector.broadcast %add3A_54 : i32 to vector<16xi32>
      %add3A_56 = arith.addi %get3A_47, %add3A_55 : vector<16xi32>
      %swap3A_57 = arith.index_cast %add3A_45 : i32 to index
      %swap3A_58 = tpu.vector_load %arg7[%swap3A_57] {strides = array<i32>} : memref<8192xi32, #tpu.memory_space<vmem>>, vector<16xi32>,
      %swap3A_59 = vector.shape_cast %swap3A_58 : vector<16xi32> to vector<16xi32>
      %swap3A_60 = vector.shape_cast %add3A_56 : vector<16xi32> to vector<16xi32>
      tpu.vector_store %arg7[%swap3A_57], %swap3A_60 {strides = array<i32>} : memref<8192xi32, #tpu.memory_space<vmem>>, vector<16xi32>,
    }
    %scan3A_6 = arith.constant 512 : i32
    %scan3A_7 = arith.constant 0 : i32
    %scan3A_8 = arith.constant 64 : i32
    %scan3A_9 = arith.addi %scan3A_7, %scan3A_8 : i32
    %scan3A_10 = arith.constant 1 : i32
    scf.for %scan3A_41 = %scan3A_7 to %scan3A_9 step %scan3A_10  : i32 {
      %mul3A_42 = arith.constant 1 : i32
      %mul3A_43 = arith.muli %scan3A_41, %mul3A_42 : i32
      %add3A_44 = arith.constant 0 : i32
      %add3A_45 = arith.addi %add3A_44, %mul3A_43 : i32
      %mul3A_46 = arith.constant 128 : i32
      %mul3A_47 = arith.muli %add3A_45, %mul3A_46 : i32
      %dma_start3A = tpu.memref_slice %arg8[%mul3A_47] : memref<8192xf32, #tpu.memory_space<vmem>> -> memref<128xf32, #tpu.memory_space<vmem>>
      %dma_start3A_48 = tpu.memref_slice %arg5[%mul3A_47] : memref<8192xi32, #tpu.memory_space<vmem>> -> memref<128xi32, #tpu.memory_space<vmem>>
      %dma_start3A_49 = arith.constant 0 : i32
      %dma_start3A_50 = tpu.memref_slice %arg2[%dma_start3A_49] : memref<29097984xf32, #tpu.memory_space<hbm>> -> memref<29097984xf32, #tpu.memory_space<hbm>>
      tpu.enqueue_indirect_dma source(%dma_start3A_50 : memref<29097984xf32, #tpu.memory_space<hbm>>) target(%dma_start3A : memref<128xf32, #tpu.memory_space<vmem>>) offsets(%dma_start3A_48 : memref<128xi32, #tpu.memory_space<vmem>>) semaphore(%arg11 : memref<!tpu.dma_semaphore, #tpu.memory_space<semaphore_mem>>)
    }
    %scan3A_11 = arith.constant 64 : i32
    %scan3A_12 = arith.constant 0 : i32
    %scan3A_13 = arith.constant 64 : i32
    %scan3A_14 = arith.addi %scan3A_12, %scan3A_13 : i32
    %scan3A_15 = arith.constant 1 : i32
    scf.for %scan3A_41 = %scan3A_12 to %scan3A_14 step %scan3A_15  : i32 {
      %mul3A_42 = arith.constant 1 : i32
      %mul3A_43 = arith.muli %scan3A_41, %mul3A_42 : i32
      %add3A_44 = arith.constant 0 : i32
      %add3A_45 = arith.addi %add3A_44, %mul3A_43 : i32
      %mul3A_46 = arith.constant 128 : i32
      %mul3A_47 = arith.muli %add3A_45, %mul3A_46 : i32
      %dma_start3A = tpu.memref_slice %arg9[%mul3A_47] : memref<8192xf32, #tpu.memory_space<vmem>> -> memref<128xf32, #tpu.memory_space<vmem>>
      %dma_start3A_48 = tpu.memref_slice %arg6[%mul3A_47] : memref<8192xi32, #tpu.memory_space<vmem>> -> memref<128xi32, #tpu.memory_space<vmem>>
      %dma_start3A_49 = arith.constant 0 : i32
      %dma_start3A_50 = tpu.memref_slice %arg2[%dma_start3A_49] : memref<29097984xf32, #tpu.memory_space<hbm>> -> memref<29097984xf32, #tpu.memory_space<hbm>>
      tpu.enqueue_indirect_dma source(%dma_start3A_50 : memref<29097984xf32, #tpu.memory_space<hbm>>) target(%dma_start3A : memref<128xf32, #tpu.memory_space<vmem>>) offsets(%dma_start3A_48 : memref<128xi32, #tpu.memory_space<vmem>>) semaphore(%arg11 : memref<!tpu.dma_semaphore, #tpu.memory_space<semaphore_mem>>)
    }
    %scan3A_16 = arith.constant 64 : i32
    %scan3A_17 = arith.constant 0 : i32
    %scan3A_18 = arith.constant 64 : i32
    %scan3A_19 = arith.addi %scan3A_17, %scan3A_18 : i32
    %scan3A_20 = arith.constant 1 : i32
    scf.for %scan3A_41 = %scan3A_17 to %scan3A_19 step %scan3A_20  : i32 {
      %mul3A_42 = arith.constant 1 : i32
      %mul3A_43 = arith.muli %scan3A_41, %mul3A_42 : i32
      %add3A_44 = arith.constant 0 : i32
      %add3A_45 = arith.addi %add3A_44, %mul3A_43 : i32
      %mul3A_46 = arith.constant 128 : i32
      %mul3A_47 = arith.muli %add3A_45, %mul3A_46 : i32
      %dma_start3A = tpu.memref_slice %arg10[%mul3A_47] : memref<8192xf32, #tpu.memory_space<vmem>> -> memref<128xf32, #tpu.memory_space<vmem>>
      %dma_start3A_48 = tpu.memref_slice %arg7[%mul3A_47] : memref<8192xi32, #tpu.memory_space<vmem>> -> memref<128xi32, #tpu.memory_space<vmem>>
      %dma_start3A_49 = arith.constant 0 : i32
      %dma_start3A_50 = tpu.memref_slice %arg2[%dma_start3A_49] : memref<29097984xf32, #tpu.memory_space<hbm>> -> memref<29097984xf32, #tpu.memory_space<hbm>>
      tpu.enqueue_indirect_dma source(%dma_start3A_50 : memref<29097984xf32, #tpu.memory_space<hbm>>) target(%dma_start3A : memref<128xf32, #tpu.memory_space<vmem>>) offsets(%dma_start3A_48 : memref<128xi32, #tpu.memory_space<vmem>>) semaphore(%arg11 : memref<!tpu.dma_semaphore, #tpu.memory_space<semaphore_mem>>)
    }
    %scan3A_21 = arith.constant 64 : i32
    %scan3A_22 = arith.constant 0 : i32
    %scan3A_23 = arith.constant 64 : i32
    %scan3A_24 = arith.addi %scan3A_22, %scan3A_23 : i32
    %scan3A_25 = arith.constant 1 : i32
    scf.for %scan3A_41 = %scan3A_22 to %scan3A_24 step %scan3A_25  : i32 {
      %mul3A_42 = arith.constant 1 : i32
      %mul3A_43 = arith.muli %scan3A_41, %mul3A_42 : i32
      %add3A_44 = arith.constant 0 : i32
      %add3A_45 = arith.addi %add3A_44, %mul3A_43 : i32
      %mul3A_46 = arith.constant 128 : i32
      %mul3A_47 = arith.muli %add3A_45, %mul3A_46 : i32
      %dma_wait3A = tpu.memref_slice %arg8[%mul3A_47] : memref<8192xf32, #tpu.memory_space<vmem>> -> memref<128xf32, #tpu.memory_space<vmem>>
      %dma_wait3A_48 = tpu.memref_slice %arg5[%mul3A_47] : memref<8192xi32, #tpu.memory_space<vmem>> -> memref<128xi32, #tpu.memory_space<vmem>>
      %dma_wait3A_49 = arith.constant 0 : i32
      %dma_wait3A_50 = tpu.memref_slice %arg2[%dma_wait3A_49] : memref<29097984xf32, #tpu.memory_space<hbm>> -> memref<29097984xf32, #tpu.memory_space<hbm>>
      tpu.wait_indirect_dma semaphore(%arg11 : memref<!tpu.dma_semaphore, #tpu.memory_space<semaphore_mem>>) src(%dma_wait3A_50 : memref<29097984xf32, #tpu.memory_space<hbm>>) dst(%dma_wait3A : memref<128xf32, #tpu.memory_space<vmem>>)
    }
    %scan3A_26 = arith.constant 64 : i32
    %scan3A_27 = arith.constant 0 : i32
    %scan3A_28 = arith.constant 64 : i32
    %scan3A_29 = arith.addi %scan3A_27, %scan3A_28 : i32
    %scan3A_30 = arith.constant 1 : i32
    scf.for %scan3A_41 = %scan3A_27 to %scan3A_29 step %scan3A_30  : i32 {
      %mul3A_42 = arith.constant 1 : i32
      %mul3A_43 = arith.muli %scan3A_41, %mul3A_42 : i32
      %add3A_44 = arith.constant 0 : i32
      %add3A_45 = arith.addi %add3A_44, %mul3A_43 : i32
      %mul3A_46 = arith.constant 128 : i32
      %mul3A_47 = arith.muli %add3A_45, %mul3A_46 : i32
      %dma_wait3A = tpu.memref_slice %arg9[%mul3A_47] : memref<8192xf32, #tpu.memory_space<vmem>> -> memref<128xf32, #tpu.memory_space<vmem>>
      %dma_wait3A_48 = tpu.memref_slice %arg6[%mul3A_47] : memref<8192xi32, #tpu.memory_space<vmem>> -> memref<128xi32, #tpu.memory_space<vmem>>
      %dma_wait3A_49 = arith.constant 0 : i32
      %dma_wait3A_50 = tpu.memref_slice %arg2[%dma_wait3A_49] : memref<29097984xf32, #tpu.memory_space<hbm>> -> memref<29097984xf32, #tpu.memory_space<hbm>>
      tpu.wait_indirect_dma semaphore(%arg11 : memref<!tpu.dma_semaphore, #tpu.memory_space<semaphore_mem>>) src(%dma_wait3A_50 : memref<29097984xf32, #tpu.memory_space<hbm>>) dst(%dma_wait3A : memref<128xf32, #tpu.memory_space<vmem>>)
    }
    %scan3A_31 = arith.constant 64 : i32
    %scan3A_32 = arith.constant 0 : i32
    %scan3A_33 = arith.constant 64 : i32
    %scan3A_34 = arith.addi %scan3A_32, %scan3A_33 : i32
    %scan3A_35 = arith.constant 1 : i32
    scf.for %scan3A_41 = %scan3A_32 to %scan3A_34 step %scan3A_35  : i32 {
      %mul3A_42 = arith.constant 1 : i32
      %mul3A_43 = arith.muli %scan3A_41, %mul3A_42 : i32
      %add3A_44 = arith.constant 0 : i32
      %add3A_45 = arith.addi %add3A_44, %mul3A_43 : i32
      %mul3A_46 = arith.constant 128 : i32
      %mul3A_47 = arith.muli %add3A_45, %mul3A_46 : i32
      %dma_wait3A = tpu.memref_slice %arg10[%mul3A_47] : memref<8192xf32, #tpu.memory_space<vmem>> -> memref<128xf32, #tpu.memory_space<vmem>>
      %dma_wait3A_48 = tpu.memref_slice %arg7[%mul3A_47] : memref<8192xi32, #tpu.memory_space<vmem>> -> memref<128xi32, #tpu.memory_space<vmem>>
      %dma_wait3A_49 = arith.constant 0 : i32
      %dma_wait3A_50 = tpu.memref_slice %arg2[%dma_wait3A_49] : memref<29097984xf32, #tpu.memory_space<hbm>> -> memref<29097984xf32, #tpu.memory_space<hbm>>
      tpu.wait_indirect_dma semaphore(%arg11 : memref<!tpu.dma_semaphore, #tpu.memory_space<semaphore_mem>>) src(%dma_wait3A_50 : memref<29097984xf32, #tpu.memory_space<hbm>>) dst(%dma_wait3A : memref<128xf32, #tpu.memory_space<vmem>>)
    }
    %scan3A_36 = arith.constant 64 : i32
    "tpu.region"() ({
      %run_scoped3A = tpu.sem_alloc : memref<!tpu.dma_semaphore, #tpu.memory_space<semaphore_mem>>
      %dma_start3A = tpu.memref_slice %arg4[%mul3A_2] : memref<786432xf32, #tpu.memory_space<hbm>> -> memref<8192xf32, #tpu.memory_space<hbm>>
      %dma_start3A_41 = tpu.memref_slice %arg4[%mul3A_2] : memref<786432xf32, #tpu.memory_space<hbm>> -> memref<8192xf32, #tpu.memory_space<hbm>>
      tpu.enqueue_dma source(%arg8 : memref<8192xf32, #tpu.memory_space<vmem>>) target(%dma_start3A_41 : memref<8192xf32, #tpu.memory_space<hbm>>) target_semaphore(%run_scoped3A : memref<!tpu.dma_semaphore, #tpu.memory_space<semaphore_mem>>)
      %dma_wait3A = tpu.memref_slice %arg4[%mul3A_2] : memref<786432xf32, #tpu.memory_space<hbm>> -> memref<8192xf32, #tpu.memory_space<hbm>>
      %dma_wait3A_42 = tpu.memref_slice %arg4[%mul3A_2] : memref<786432xf32, #tpu.memory_space<hbm>> -> memref<8192xf32, #tpu.memory_space<hbm>>
      tpu.wait_dma2 semaphore(%run_scoped3A : memref<!tpu.dma_semaphore, #tpu.memory_space<semaphore_mem>>) src(%arg8 : memref<8192xf32, #tpu.memory_space<vmem>>) dst(%dma_wait3A_42 : memref<8192xf32, #tpu.memory_space<hbm>>)
      tpu.yield
    }) : () -> ()
    %add3A_37 = arith.constant 262144 : i32
    %add3A_38 = arith.addi %add3A_37, %mul3A_2 : i32
    "tpu.region"() ({
      %run_scoped3A = tpu.sem_alloc : memref<!tpu.dma_semaphore, #tpu.memory_space<semaphore_mem>>
      %dma_start3A = tpu.memref_slice %arg4[%add3A_38] : memref<786432xf32, #tpu.memory_space<hbm>> -> memref<8192xf32, #tpu.memory_space<hbm>>
      %dma_start3A_41 = tpu.memref_slice %arg4[%add3A_38] : memref<786432xf32, #tpu.memory_space<hbm>> -> memref<8192xf32, #tpu.memory_space<hbm>>
      tpu.enqueue_dma source(%arg9 : memref<8192xf32, #tpu.memory_space<vmem>>) target(%dma_start3A_41 : memref<8192xf32, #tpu.memory_space<hbm>>) target_semaphore(%run_scoped3A : memref<!tpu.dma_semaphore, #tpu.memory_space<semaphore_mem>>)
      %dma_wait3A = tpu.memref_slice %arg4[%add3A_38] : memref<786432xf32, #tpu.memory_space<hbm>> -> memref<8192xf32, #tpu.memory_space<hbm>>
      %dma_wait3A_42 = tpu.memref_slice %arg4[%add3A_38] : memref<786432xf32, #tpu.memory_space<hbm>> -> memref<8192xf32, #tpu.memory_space<hbm>>
      tpu.wait_dma2 semaphore(%run_scoped3A : memref<!tpu.dma_semaphore, #tpu.memory_space<semaphore_mem>>) src(%arg9 : memref<8192xf32, #tpu.memory_space<vmem>>) dst(%dma_wait3A_42 : memref<8192xf32, #tpu.memory_space<hbm>>)
      tpu.yield
    }) : () -> ()
    %add3A_39 = arith.constant 524288 : i32
    %add3A_40 = arith.addi %add3A_39, %mul3A_2 : i32
    "tpu.region"() ({
      %run_scoped3A = tpu.sem_alloc : memref<!tpu.dma_semaphore, #tpu.memory_space<semaphore_mem>>
      %dma_start3A = tpu.memref_slice %arg4[%add3A_40] : memref<786432xf32, #tpu.memory_space<hbm>> -> memref<8192xf32, #tpu.memory_space<hbm>>
      %dma_start3A_41 = tpu.memref_slice %arg4[%add3A_40] : memref<786432xf32, #tpu.memory_space<hbm>> -> memref<8192xf32, #tpu.memory_space<hbm>>
      tpu.enqueue_dma source(%arg10 : memref<8192xf32, #tpu.memory_space<vmem>>) target(%dma_start3A_41 : memref<8192xf32, #tpu.memory_space<hbm>>) target_semaphore(%run_scoped3A : memref<!tpu.dma_semaphore, #tpu.memory_space<semaphore_mem>>)
      %dma_wait3A = tpu.memref_slice %arg4[%add3A_40] : memref<786432xf32, #tpu.memory_space<hbm>> -> memref<8192xf32, #tpu.memory_space<hbm>>
      %dma_wait3A_42 = tpu.memref_slice %arg4[%add3A_40] : memref<786432xf32, #tpu.memory_space<hbm>> -> memref<8192xf32, #tpu.memory_space<hbm>>
      tpu.wait_dma2 semaphore(%run_scoped3A : memref<!tpu.dma_semaphore, #tpu.memory_space<semaphore_mem>>) src(%arg10 : memref<8192xf32, #tpu.memory_space<vmem>>) dst(%dma_wait3A_42 : memref<8192xf32, #tpu.memory_space<hbm>>)
      tpu.yield
    }) : () -> ()
    return
  }
}

module attributes {stable_mosaic.version = 14 : i64} {
  func.func @_idx_body(%arg0: i32, %arg1: memref<3xi32, #tpu.memory_space<smem>>, %arg2: memref<1x37x4096xi32, #tpu.memory_space<vmem>>, %arg3: memref<37x4096xi32, #tpu.memory_space<vmem>>, %arg4: memref<1x1x4096xi32, #tpu.memory_space<vmem>>, %arg5: memref<1x1x4096xf32, #tpu.memory_space<vmem>>, %arg6: memref<37x4096xi32, #tpu.memory_space<vmem>>) attributes {dimension_semantics = [#tpu.dimension_semantics<arbitrary>], iteration_bounds = array<i64: 64>, scalar_prefetch = 0 : i64, scratch_operands = 1 : i64, tpu.core_type = #tpu.core_type<tc>, window_params = [{transform_indices = @transform_0, window_bounds = array<i64: 3>}, {transform_indices = @transform_1, window_bounds = array<i64: 1, 37, 4096>}, {pipeline_mode = #tpu.pipeline_mode<synchronous>, transform_indices = @transform_2, window_bounds = array<i64: 37, 4096>}, {transform_indices = @transform_3, window_bounds = array<i64: 1, 1, 4096>}, {transform_indices = @transform_4, window_bounds = array<i64: 1, 1, 4096>}]} {
    %eq3A = arith.constant 0 : i32
    %eq3A_0 = arith.cmpi eq, %arg0, %eq3A : i32
    %convert_element_type3A = arith.extui %eq3A_0 : i1 to i32
    %cond3A = arith.constant 0 : i32
    %cond3A_1 = arith.cmpi ne, %convert_element_type3A, %cond3A : i32
    scf.if %cond3A_1 {
      %get3A_40 = arith.constant 0 : index
      %get3A_41 = arith.constant 0 : index
      %get3A_42 = vector.load %arg3[%get3A_40, %get3A_41] : memref<37x4096xi32, #tpu.memory_space<vmem>>, vector<37x4096xi32>
      %get3A_43 = arith.constant 0 : index
      %get3A_44 = memref.load %arg1[%get3A_43] : memref<3xi32, #tpu.memory_space<smem>>
      %get3A_45 = arith.constant 1 : index
      %get3A_46 = memref.load %arg1[%get3A_45] : memref<3xi32, #tpu.memory_space<smem>>
      %get3A_47 = arith.constant 2 : index
      %get3A_48 = memref.load %arg1[%get3A_47] : memref<3xi32, #tpu.memory_space<smem>>
      %eq3A_49 = vector.broadcast %get3A_44 : i32 to vector<37x4096xi32>
      %eq3A_50 = arith.cmpi eq, %get3A_42, %eq3A_49 : vector<37x4096xi32>
      %eq3A_51 = vector.broadcast %get3A_46 : i32 to vector<37x4096xi32>
      %eq3A_52 = arith.cmpi eq, %get3A_42, %eq3A_51 : vector<37x4096xi32>
      %or3A = arith.ori %eq3A_50, %eq3A_52 : vector<37x4096xi1>
      %eq3A_53 = vector.broadcast %get3A_48 : i32 to vector<37x4096xi32>
      %eq3A_54 = arith.cmpi eq, %get3A_42, %eq3A_53 : vector<37x4096xi32>
      %or3A_55 = arith.ori %or3A, %eq3A_54 : vector<37x4096xi1>
      %iota3A_56 = tpu.iota {dimensions = array<i32: 0>} : vector<37x4096xi32>
      %jit3A_57 = arith.constant 38 : i32
      %broadcast_in_dim3A_58 = vector.broadcast %jit3A_57 : i32 to vector<37x4096xi32>
      %select_n3A_59 = arith.select %or3A_55, %iota3A_56, %broadcast_in_dim3A_58 : vector<37x4096xi1>, vector<37x4096xi32>
      %swap3A_60 = arith.constant 0 : index
      %swap3A_61 = arith.constant 0 : index
      %swap3A_62 = vector.load %arg6[%swap3A_60, %swap3A_61] : memref<37x4096xi32, #tpu.memory_space<vmem>>, vector<37x4096xi32>
      tpu.vector_store %arg6[%swap3A_60, %swap3A_61], %select_n3A_59 {strides = array<i32>} : memref<37x4096xi32, #tpu.memory_space<vmem>>, vector<37x4096xi32>,
    } else {
    }
    %get3A = arith.constant 0 : index
    %get3A_2 = arith.constant 0 : index
    %get3A_3 = arith.constant 0 : index
    %get3A_4 = vector.load %arg2[%get3A, %get3A_2, %get3A_3] : memref<1x37x4096xi32, #tpu.memory_space<vmem>>, vector<1x37x4096xi32>
    %get3A_5 = vector.shape_cast %get3A_4 : vector<1x37x4096xi32> to vector<37x4096xi32>
    %get3A_6 = arith.constant dense<0> : vector<37x4096xi32>
    %get3A_7 = arith.cmpi ne, %get3A_5, %get3A_6 : vector<37x4096xi32>
    %get3A_8 = arith.constant 0 : index
    %get3A_9 = arith.constant 0 : index
    %get3A_10 = vector.load %arg6[%get3A_8, %get3A_9] : memref<37x4096xi32, #tpu.memory_space<vmem>>, vector<37x4096xi32>
    %jit3A = arith.constant 38 : i32
    %broadcast_in_dim3A = vector.broadcast %jit3A : i32 to vector<37x4096xi32>
    %select_n3A = arith.select %get3A_7, %get3A_10, %broadcast_in_dim3A : vector<37x4096xi1>, vector<37x4096xi32>
    %reduce_min3A = arith.constant dense<2147483647> : vector<4096xi32>
    %reduce_min3A_11 = vector.multi_reduction <minsi>, %select_n3A, %reduce_min3A [0] : vector<37x4096xi32> to vector<4096xi32>
    %broadcast_in_dim3A_12 = vector.shape_cast %reduce_min3A_11 : vector<4096xi32> to vector<1x4096xi32>
    %le3A = arith.constant 36 : i32
    %le3A_13 = vector.broadcast %le3A : i32 to vector<1x4096xi32>
    %le3A_14 = arith.cmpi sle, %broadcast_in_dim3A_12, %le3A_13 : vector<1x4096xi32>
    %iota3A = tpu.iota {dimensions = array<i32: 1>} : vector<1x4096xi32>
    %mul3A = arith.constant 4096 : i32
    %mul3A_15 = arith.muli %arg0, %mul3A : i32
    %add3A = vector.broadcast %mul3A_15 : i32 to vector<1x4096xi32>
    %add3A_16 = arith.addi %add3A, %iota3A : vector<1x4096xi32>
    %mul3A_17 = arith.constant 37 : i32
    %mul3A_18 = vector.broadcast %mul3A_17 : i32 to vector<1x4096xi32>
    %mul3A_19 = arith.muli %add3A_16, %mul3A_18 : vector<1x4096xi32>
    %jit3A_20 = arith.constant 0 : i32
    %broadcast_in_dim3A_21 = vector.broadcast %jit3A_20 : i32 to vector<1x4096xi32>
    %select_n3A_22 = arith.select %le3A_14, %broadcast_in_dim3A_12, %broadcast_in_dim3A_21 : vector<1x4096xi1>, vector<1x4096xi32>
    %add3A_23 = arith.addi %mul3A_19, %select_n3A_22 : vector<1x4096xi32>
    %mul3A_24 = arith.constant 3 : i32
    %mul3A_25 = vector.broadcast %mul3A_24 : i32 to vector<1x4096xi32>
    %mul3A_26 = arith.muli %mul3A_25, %add3A_23 : vector<1x4096xi32>
    %swap3A = arith.constant 0 : index
    %swap3A_27 = arith.constant 0 : index
    %swap3A_28 = arith.constant 0 : index
    %swap3A_29 = vector.load %arg4[%swap3A, %swap3A_27, %swap3A_28] : memref<1x1x4096xi32, #tpu.memory_space<vmem>>, vector<1x1x4096xi32>
    %swap3A_30 = vector.shape_cast %swap3A_29 : vector<1x1x4096xi32> to vector<1x4096xi32>
    %swap3A_31 = vector.shape_cast %mul3A_26 : vector<1x4096xi32> to vector<1x1x4096xi32>
    tpu.vector_store %arg4[%swap3A, %swap3A_27, %swap3A_28], %swap3A_31 {strides = array<i32>} : memref<1x1x4096xi32, #tpu.memory_space<vmem>>, vector<1x1x4096xi32>,
    %convert_element_type3A_32 = arith.extui %le3A_14 : vector<1x4096xi1> to vector<1x4096xi32>
    %convert_element_type3A_33 = arith.sitofp %convert_element_type3A_32 : vector<1x4096xi32> to vector<1x4096xf32>
    %swap3A_34 = arith.constant 0 : index
    %swap3A_35 = arith.constant 0 : index
    %swap3A_36 = arith.constant 0 : index
    %swap3A_37 = vector.load %arg5[%swap3A_34, %swap3A_35, %swap3A_36] : memref<1x1x4096xf32, #tpu.memory_space<vmem>>, vector<1x1x4096xf32>
    %swap3A_38 = vector.shape_cast %swap3A_37 : vector<1x1x4096xf32> to vector<1x4096xf32>
    %swap3A_39 = vector.shape_cast %convert_element_type3A_33 : vector<1x4096xf32> to vector<1x1x4096xf32>
    tpu.vector_store %arg5[%swap3A_34, %swap3A_35, %swap3A_36], %swap3A_39 {strides = array<i32>} : memref<1x1x4096xf32, #tpu.memory_space<vmem>>, vector<1x1x4096xf32>,
    return
  }
  func.func @transform_0(%arg0: i32) -> i32 {
    %c0_i32 = arith.constant 0 : i32
    %c0_i32_0 = arith.constant 0 : i32
    return %c0_i32 : i32
  }
  func.func @transform_1(%arg0: i32) -> (i32, i32, i32) {
    %c0_i32 = arith.constant 0 : i32
    %c0_i32_0 = arith.constant 0 : i32
    %c0_i32_1 = arith.constant 0 : i32
    return %arg0, %c0_i32, %c0_i32_0 : i32, i32, i32
  }
  func.func @transform_2(%arg0: i32) -> (i32, i32) {
    %c0_i32 = arith.constant 0 : i32
    %c0_i32_0 = arith.constant 0 : i32
    %c0_i32_1 = arith.constant 0 : i32
    return %c0_i32, %c0_i32_0 : i32, i32
  }
  func.func @transform_3(%arg0: i32) -> (i32, i32, i32) {
    %c0_i32 = arith.constant 0 : i32
    %c0_i32_0 = arith.constant 0 : i32
    %c0_i32_1 = arith.constant 0 : i32
    return %arg0, %c0_i32, %c0_i32_0 : i32, i32, i32
  }
  func.func @transform_4(%arg0: i32) -> (i32, i32, i32) {
    %c0_i32 = arith.constant 0 : i32
    %c0_i32_0 = arith.constant 0 : i32
    %c0_i32_1 = arith.constant 0 : i32
    return %arg0, %c0_i32, %c0_i32_0 : i32, i32, i32
  }
}

</mosaic_0001>

<sc_bundles>
// kernel: kernel.4.cloned.1.call-start
scs
__scs_entry_jumppad:
0x0: {  	(pc) =	sbr.rel $0x88, $3  }
0x1: {  	(tag) =	ssettag $0x0;
	lr =	simm.s32 $0x1  }
0x2: {  	[smem:$0x3F9D] =	sst lr;
	_ =	strace $0xD0000000  }
0x3: {  	_ = 	snop  }
0x4: {  	_ = 	snop  }
0x5: {  	_ = 	snop  }
0x6: {  	_ = 	snop  }
0x7: {  	_ = 	snop  }
__scs_overlays_trampoline_lowered:
0x8: {  	[smem:$0x3FAC] =	sst s0  }
0x9: {  	[smem:$0x3FAD] =	sst s1  }
0xa: {  	[smem:$0x3FAE] =	sst s2  }
0xb: {  	[smem:$0x3FAF] =	sst s3  }
0xc: {  	[smem:$0x3FB0] =	sst s4  }
0xd: {  	[smem:$0x3FB1] =	sst s5  }
0xe: {  	[smem:$0x3FB2] =	sst s6  }
0xf: {  	[smem:$0x3FB3] =	sst s7  }
0x10: {  	[smem:$0x3FB4] =	sst s8  }
0x11: {  	[smem:$0x3FB5] =	sst s9;
	s0 =	simm.s32 @!p0 $0x0  }
0x12: {  	s1 =	sld [smem:$0x3F9B];
	s0 =	simm.s32 @p0 $0x1  }
0x13: {  	[smem:$0x3FB6] =	sst s0;
	s0 =	simm.s32 @!p1 $0x0  }
0x14: {  	s2 =	sld [smem:$0x3F9A];
	s0 =	simm.s32 @p1 $0x1  }
0x15: {  	[smem:$0x3FB7] =	sst s0;
	s0 =	simm.s32 @!p2 $0x0  }
0x16: {  	s3 =	sld [smem:$0x3FDB];
	s0 =	simm.s32 @p2 $0x1  }
0x17: {  	s4 =	simm.s32 $0x1BF5;
	[smem:$0x3FB9] =	sst s0  }
0x18: {  	s0 =	sld [smem:$0x3F9C];
	_ =	swait.ge [sflag:s4], $0x0  }
0x19: {  	s7 =	sld [smem:$0x3F9D]  }
0x1a: {  	s8 =	sadd.s32 $0xFFFFE003, lr  }
0x1b: {  	s9 =	sadd.s32 $0xFFFFFEF7, lr;
	s5 =	simm.s32 $0xFFFFFFFF;
	p2 =	slt.u32 s8, $0xFFFFF086  }
0x1c: {  	p1 =	slt.u32 s9, $0xF7A;
	s5 =	simm.s32 @!p2 $0x0  }
0x1d: {  	s5 =	simm.s32 @p1 $0x1;
	p0 =	seq.s32 s7, s2  }
0x1e: {  	s7 =	smul.u32 @!p0 $0xF7A, s2;
	p2 =	seq.s32 @!p0 s5, $0x0  }
0x1f: {  	s9 =	smul.u32 $0xF7A, s1;
	s8 =	simm.s32 @!p0 $0x1BF5;
	p2 =	por !p2, p0  }
0x20: {  	[sflag:s8] =	ssyncset.s32 @!p0 $0xFFFFF086;
	s6 =	sadd.s32 @!p0 s3, s7;
	s7 =	simm.s32 @!p0 $0x108  }
0x21: {  	s3 =	sadd.s32 s3, s9;
	s6 =	sadd.s32 @!p0 $0x88, s6;
	s7 =	simm.s32 @p2 $0x1082  }
0x22: {  	[simem:s7], [sflag:s8] =	dma.local @!p0 [hbm:s6], $0xF7A  }
0x23: {  	s9 =	sor.u32 $0xD0000000, s2;
	s6 =	simm.s32 $0x108;
	_ =	swait.ge @!p0 [sflag:s8], $0x0  }
0x24: {  	s3 =	sadd.s32 $0x88, s3;
	s6 =	simm.s32 @!p1 $0x1082;
	[sflag:s4] =	ssyncset.s32 $0xFFFFF086  }
0x25: {  	[simem:s6], [sflag:s4] =	dma.local [hbm:s3], $0xF7A  }
0x26: {  	[smem:$0x3F9D] =	sst s1;
	(tag) =	ssettag s2;
	_ =	strace s9  }
0x27: {  	s1 =	sld [smem:$0x3FAD]  }
0x28: {  	s2 =	sld [smem:$0x3FAE]  }
0x29: {  	s4 =	sld [smem:$0x3FB0]  }
0x2a: {  	p0 =	seq.s32 s5, $0x0;
	s5 =	sld [smem:$0x3FB1]  }
0x2b: {  	s6 =	sld [smem:$0x3FB2]  }
0x2c: {  	s7 =	sld [smem:$0x3FB3]  }
0x2d: {  	s3 =	simm.s32 $0x108;
	s8 =	sld [smem:$0x3FB4]  }
0x2e: {  	s3 =	simm.s32 @!p0 $0x1082;
	s9 =	sld [smem:$0x3FB5]  }
0x2f: {  	lr =	sadd.s32 s0, s3;
	s0 =	sld [smem:$0x3FAC]  }
0x30: {  	s3 =	sld [smem:$0x3FAF]  }
0x31: {  	[smem:$0x3FB8] =	sst s10  }
0x32: {  	s10 =	sld [smem:$0x3FB6];
	_ =	sdelay $0x3  }
0x33: {  	p0 =	seq.s32 s10, $0x1;
	s10 =	sld [smem:$0x3FB8];
	_ =	sdelay $0x3  }
0x34: {  	[smem:$0x3FB8] =	sst s10  }
0x35: {  	s10 =	sld [smem:$0x3FB7];
	_ =	sdelay $0x3  }
0x36: {  	p1 =	seq.s32 s10, $0x1;
	s10 =	sld [smem:$0x3FB8];
	_ =	sdelay $0x3  }
0x37: {  	[smem:$0x3FB8] =	sst s10  }
0x38: {  	s10 =	sld [smem:$0x3FB9]  }
0x39: {  	_ = 	snop;
	(pc) =	sbr.ind lr, $3  }
0x3a: {  	_ = 	snop  }
0x3b: {  	_ = 	snop  }
0x3c: {  	p2 =	seq.s32 s10, $0x1;
	s10 =	sld [smem:$0x3FB8]  }
0x3d: {  	_ =	shalt  }
0x3e: {  	_ =	shalt  }
0x3f: {  	_ =	shalt  }
0x40: {  	_ =	shalt  }
0x41: {  	_ =	shalt  }
0x42: {  	_ =	shalt  }
0x43: {  	_ =	shalt  }
0x44: {  	_ =	shalt  }
0x45: {  	_ =	shalt  }
0x46: {  	_ =	shalt  }
0x47: {  	_ =	shalt  }
0x48: {  	_ =	shalt  }
0x49: {  	_ =	shalt  }
0x4a: {  	_ =	shalt  }
0x4b: {  	_ =	shalt  }
0x4c: {  	_ =	shalt  }
0x4d: {  	_ =	shalt  }
0x4e: {  	_ =	shalt  }
0x4f: {  	_ =	shalt  }
0x50: {  	_ =	shalt  }
0x51: {  	_ =	shalt  }
0x52: {  	_ =	shalt  }
0x53: {  	_ =	shalt  }
0x54: {  	_ =	shalt  }
0x55: {  	_ =	shalt  }
0x56: {  	_ =	shalt  }
0x57: {  	_ =	shalt  }
0x58: {  	_ =	shalt  }
0x59: {  	_ =	shalt  }
0x5a: {  	_ =	shalt  }
0x5b: {  	_ =	shalt  }
0x5c: {  	_ =	shalt  }
0x5d: {  	_ =	shalt  }
0x5e: {  	_ =	shalt  }
0x5f: {  	_ =	shalt  }
0x60: {  	_ =	shalt  }
0x61: {  	_ =	shalt  }
0x62: {  	_ =	shalt  }
0x63: {  	_ =	shalt  }
0x64: {  	_ =	shalt  }
0x65: {  	_ =	shalt  }
0x66: {  	_ =	shalt  }
0x67: {  	_ =	shalt  }
0x68: {  	_ =	shalt  }
0x69: {  	_ =	shalt  }
0x6a: {  	_ =	shalt  }
0x6b: {  	_ =	shalt  }
0x6c: {  	_ =	shalt  }
0x6d: {  	_ =	shalt  }
0x6e: {  	_ =	shalt  }
0x6f: {  	_ =	shalt  }
0x70: {  	_ =	shalt  }
0x71: {  	_ =	shalt  }
0x72: {  	_ =	shalt  }
0x73: {  	_ =	shalt  }
0x74: {  	_ =	shalt  }
0x75: {  	_ =	shalt  }
0x76: {  	_ =	shalt  }
0x77: {  	_ =	shalt  }
0x78: {  	_ =	shalt  }
0x79: {  	_ =	shalt  }
0x7a: {  	_ =	shalt  }
0x7b: {  	_ =	shalt  }
0x7c: {  	_ =	shalt  }
0x7d: {  	_ =	shalt  }
0x7e: {  	_ =	shalt  }
0x7f: {  	_ =	shalt  }
0x80: {  	_ =	shalt  }
0x81: {  	_ =	shalt  }
0x82: {  	_ =	shalt  }
0x83: {  	_ =	shalt  }
0x84: {  	_ =	shalt  }
0x85: {  	_ =	shalt  }
0x86: {  	_ =	shalt  }
0x87: {  	_ =	shalt  }
.Lfunc_end0:
.L_simem_size_0:
called_computation.1_lowered:
.L_overlay_start_0:
0x88: {  	s2 =	sld [smem:$0x3FD9]  }
0x89: {  	s3 =	sld [smem:$0x3FFE];
	_ =	sdelay $0x1  }
0x8a: {  	s1 =	srdreg.scid  }
0x8b: {  	s0 =	sand.u32 $0x1, s1  }
0x8c: {  	s14 =	sshll.u32 s0, $0xA;
	s2 =	sadd.s32 s3, s2  }
0x8d: {  	s2 =	sadd.s32 s2, s14  }
0x8e: {  	[smem:$0x3FC4] =	sst s2  }
0x8f: {  	_ = 	snop  }
0x90: {  	s2 =	sld [smem:$0x3FD0];
	_ =	sdelay $0x2  }
0x91: {  	s15 =	simm.s32 $0xA;
	s4 =	simm.s32 $0x10  }
0x92: {  	[smem:s4], [sflag:s15] =	dma.local [hbm:s2], $0x1  }
0x93: {  	_ =	swait.eq [sflag:s15], $0x1  }
0x94: {  	[sflag:s15] =	ssyncset.done $0x0  }
0x95: {  	[sflag:s15] =	ssyncadd.s32 $0xFFFFFFFF  }
0x96: {  	s16 =	sld [smem:$0x10];
	(tm) =	ssettm $0x1  }
0x97: {  	s17 =	sld [smem:$0x3FFB];
	_ =	sdelay $0x3  }
0x98: {  	_ =	strace s17  }
0x99: {  	s3 =	sld [smem:$0x3FFC];
	_ =	sdelay $0x3  }
0x9a: {  	_ =	strace s3  }
0x9b: {  	s3 =	sld [smem:$0x3FFD];
	_ =	sdelay $0x3  }
0x9c: {  	_ =	strace s3  }
0x9d: {  	_ =	strace $0x8FFFFFFF  }
0x9e: {  	s18 =	sld [smem:$0x3FDB];
	_ =	sdelay $0x1  }
0x9f: {  	s19 =	simm.s32 $_scs_section_size  }
0xa0: {  	s5 =	simm.s32 $_size__tile_overlayer_lowered;
	s6 =	simm.s32 $_tile_overlayer_lowered  }
0xa1: {  	s22 =	simm.s32 $0x1BFF;
	s21 =	sshll.u32 s6, $0x1;
	s3 =	sadd.s32 s19, s18  }
0xa2: {  	s7 =	simm.s32 $0x0;
	s20 =	sshll.u32 s5, $0x1;
	s5 =	sadd.s32 s21, s3  }
0xa3: {  	[timem:s7], [sflag:s22] =	dma.local [hbm:s5], s20  }
0xa4: {  	_ =	swait.ge [sflag:s22], s20  }
0xa5: {  	s4 =	ssub.s32 $0x0, s20;
	[sflag:s22] =	ssyncset.done $0x0  }
0xa6: {  	[sflag:s22] =	ssyncadd.s32 s4;
	_ =	sdelay $0x1  }
0xa7: {  	s23 =	simm.s32 $0x1B8B  }
0xa8: {  	_ =	swait.ge [sflag:s23], $0x1  }
0xa9: {  	[sflag:s23] =	ssyncset.done $0x0  }
0xaa: {  	s25 =	simm.s32 $0x1B8E;
	s24 =	sld [smem:$0x3FFE];
	[sflag:s23] =	ssyncadd.s32 $0xFFFFFFFF  }
0xab: {  	s26 =	simm.s32 $execute0_lowered;
	[smem:$0x3FD2] =	sst s25  }
0xac: {  	s5 =	sshll.u32 s26, $0x1;
	_ =	strace $0x80000049;
	[dreg:$0x1] =	wrdreg $0xFFFFFFFF  }
0xad: {  	s28 =	simm.s32 $_size_execute0_lowered;
	s3 =	sadd.s32 s3, s5;
	[dreg:$0x0] =	wrdreg $0x0  }
0xae: {  	s5 =	sshll.u32 s28, $0x1;
	[dreg:$0x2] =	wrdreg s3  }
0xaf: {  	[dreg:$0x3] =	wrdreg s5  }
0xb0: {  	[dreg:$0x4] =	wrdreg $0xC0  }
0xb1: {  	_ =	task [dreg:s7], $0x5FFFF  }
0xb2: {  	[dreg:$0x1] =	wrdreg $0xFFFFFFFF  }
0xb3: {  	[dreg:$0x0] =	wrdreg $0x60  }
0xb4: {  	[dreg:$0x2] =	wrdreg s24  }
0xb5: {  	[dreg:$0x3] =	wrdreg s16  }
0xb6: {  	[dreg:$0x4] =	wrdreg $0x9  }
0xb7: {  	_ =	task.clear_ibuf [dreg:s7], $0x5FFFF;
	_ =	strace $0x90000049  }
0xb8: {  	s29 =	simm.s32 $0x9;
	_ =	strace $0x8000004B  }
0xb9: {  	_ =	swait.ge [sflag:s29], $0x1  }
0xba: {  	[sflag:s29] =	ssyncadd.s32 $0xFFFFFFFF  }
0xbb: {  	_ =	strace $0x9000004B  }
0xbc: {  	_ =	sfence  }
0xbd: {  	s30 =	sld [smem:$0x0];
	_ =	sdelay $0x2  }
0xbe: {  	s31 =	sshll.u32 s1, $0xD;
	s1 =	sshrl.u32 s1, $0x2  }
0xbf: {  	s3 =	sand.u32 $0x4000, s31;
	s1 =	sadd.s32 s1, s30  }
0xc0: {  	s0 =	sor.u32 s3, s0;
	s1 =	sshll.u32 s1, $0x11  }
0xc1: {  	s0 =	sor.u32 s1, s0  }
0xc2: {  	s0 =	sadd.s32 $0x8F2B, s0  }
0xc3: {  	[sflag:s0] =	ssyncadd.remote.s32 $0x1  }
0xc4: {  	_ =	sfence.sel $0xFFFF  }
0xc5: {  	[dreg:$0x0] =	wrdreg $0xFFFFFFFF;
	(pc) =	sbr.abs _section_cstart, $3  }
0xc6: {  	[dreg:$0x1] =	wrdreg $0xFFFFFFFF  }
0xc7: {  	_ =	task.clear_ibuf [dreg:s7], $0x2FFFF;
	_ =	strace $0x9FFFFFFF  }
0xc8: {  	(tm) =	ssettm $0x7FFFFFFF  }
0xc9: {  	_ =	shalt  }
tec
execute0_lowered:
.L_overlay_start_1:
0x0: {  	(tag) =	ssettag $0x1  }
0x1: {  	s4 =	rddreg [dreg:$0x0]  }
0x2: {  	s5 =	rddreg [dreg:$0x1]  }
0x3: {  	s0 =	rddreg [dreg:$0x2];
	s2 =	simm.s32 $0x0;
	s3 =	srdreg.scid  }
0x4: {  	s1 =	stileid.u32;
	s10 =	simm.s32 $0x80;
	s11 =	simm.s32 $0x1  }
0x5: {  	s12 =	simm.s32 $0x6000;
	s13 =	simm.s32 $0x8000;
	s14 =	simm.s32 $0xA000  }
0x6: {  	s15 =	simm.s32 $0x0;
	[smem:$0x7FF] =	sst s2;
	s6 =	sand.u32 $0x1, s3  }
0x7: {  	s7 =	sshll.u32 s1, $0xB;
	s3 =	sadd.s32 $0xA269200, s4;
	s8 =	sshll.u32 s6, $0xA  }
0x8: {  	_ =	strace $0x8000004A;
	s6 =	ssub.s32 $0x2, s6;
	s7 =	sor.u32 s8, s7  }
0x9: {  	s9 =	sshrl.u32 s6, $0x1;
	s8 =	sadd.s32 s7, s4;
	s4 =	sadd.s32 s5, s7  }
0xa: {  	s9 =	ssub.s32 s6, s9;
	s5 =	sadd.s32 $0x1200, s8;
	s6 =	sadd.s32 $0x8000, s4  }
0xb: {  	s7 =	sadd.s32 $0x10000, s4;
	s8 =	smax.u32 s9, $0x1;
	s9 =	simm.s32 $0x2  }
.LBB2_1:
0xc: {  	[tilespmem:s2], [sflag:$0x2] =	stream.linear.gather [hbm4b:s5+s2], $0x2000, $0x38;
	[tilespmem:$0xC000] =	vst v63  }
0xd: {  	_ =	swait.ge [sflag:s9], $0x2000  }
0xe: {  	[sflag:s9] =	ssyncset.done $0x0  }
0xf: {  	s17 =	simm.s32 $0x0;
	[sflag:s9] =	ssyncadd.s32 $0xFFFFE000  }
0x10: {  	v0 =	vld [tilespmem:s17+$0x0]  }
0x11: {  	s16 =	simm.s32 $0x40  }
.LBB2_2:
0x12: {  	p0 =	sne.s32 s16, $0x7FC0  }
.Ltmp0:
0x13: {  	_ = 	snop;
	(pc) =	sbr.rel @p0 .LBB2_2-.Ltmp0, $4  }
0x14: {  	_ = 	snop  }
0x15: {  	s18 =	sshra.s32 s16, $0x2;
	s16 =	sadd.s32 $0x40, s16;
	v1 =	vadd.s32 $0x1, v0;
	v2 =	vadd.s32 $0x2, v0  }
0x16: {  	v0 =	vld [tilespmem:s18+$0x0];
	[tilespmem:s17+$0x4000] =	vst v2  }
0x17: {  	[tilespmem:s17+$0x2000] =	vst v1;
	s17 =	smov.u32 s18  }
0x18: {  	_ =	sdelay $0x2  }
0x19: {  	v1 =	vadd.s32 $0x2, v0  }
0x1a: {  	s16 =	simm.s32 $0x0;
	v63 =	vadd.s32 $0x1, v0;
	[tilespmem:s17+$0x4000] =	vst v1  }
0x1b: {  	s18 =	simm.s32 $0x0;
	s19 =	simm.s32 $0x6000;
	[tilespmem:s17+$0x2000] =	vst v63;
	s17 =	simm.s32 $0x200  }
.LBB2_4:
0x1c: {  	[tilespmem:s19], [sflag:$0x1] =	stream.indirect.gather [hbm4b:s3+s10], $0x1, s18, s10, $0xb8;
	[tilespmem:$0xC000] =	vst v63  }
0x1d: {  	s18 =	smov.u32 s17;
	p0 =	sne.s32 s17, $0x7E00  }
.Ltmp1:
0x1e: {  	s17 =	sadd.s32 $0x200, s17;
	(pc) =	sbr.rel @p0 .LBB2_4-.Ltmp1, $3  }
0x1f: {  	_ =	sdelay $0x1  }
0x20: {  	s18 =	sshra.s32 s18, $0x2  }
0x21: {  	s19 =	sadd.s32 $0x6000, s18  }
0x22: {  	[tilespmem:s19], [sflag:$0x1] =	stream.indirect.gather [hbm4b:s3+s10], $0x1, s18, s10, $0xb8;
	[tilespmem:$0xC000] =	vst v63  }
.LBB2_6:
0x23: {  	p0 =	sne.s32 s16, $0x7E00  }
.Ltmp2:
0x24: {  	_ = 	snop;
	(pc) =	sbr.rel @p0 .LBB2_6-.Ltmp2, $4  }
0x25: {  	_ = 	snop  }
0x26: {  	s17 =	sshra.s32 s16, $0x2  }
0x27: {  	s16 =	sadd.s32 $0x200, s16;
	s18 =	sadd.s32 $0x8000, s17;
	s17 =	sadd.s32 $0x2000, s17  }
0x28: {  	[tilespmem:s18], [sflag:$0x1] =	stream.indirect.gather [hbm4b:s3+s10], $0x1, s17, s10, $0xb8;
	[tilespmem:$0xC000] =	vst v63  }
0x29: {  	s17 =	simm.s32 $0x200  }
0x2a: {  	s18 =	simm.s32 $0xA000;
	s19 =	simm.s32 $0x4000;
	s16 =	simm.s32 $0x40  }
.LBB2_8:
0x2b: {  	[tilespmem:s18], [sflag:$0x1] =	stream.indirect.gather [hbm4b:s3+s10], $0x1, s19, s10, $0xb8;
	[tilespmem:$0xC000] =	vst v63  }
0x2c: {  	s18 =	smov.u32 s17;
	p0 =	sne.s32 s17, $0x7E00  }
.Ltmp3:
0x2d: {  	s17 =	sadd.s32 $0x200, s17;
	(pc) =	sbr.rel @p0 .LBB2_8-.Ltmp3, $3  }
0x2e: {  	_ =	sdelay $0x1  }
0x2f: {  	s19 =	sshra.s32 s18, $0x2  }
0x30: {  	s18 =	sadd.s32 $0xA000, s19;
	s19 =	sadd.s32 $0x4000, s19  }
0x31: {  	[tilespmem:s18], [sflag:$0x1] =	stream.indirect.gather [hbm4b:s3+s10], $0x1, s19, s10, $0xb8;
	[tilespmem:$0xC000] =	vst v63  }
0x32: {  	_ =	swait.ge [sflag:s11], $0x80  }
0x33: {  	s17 =	simm.s32 $0x3F;
	[sflag:s11] =	ssyncset.done $0x0  }
.LBB2_10:
0x34: {  	p0 =	sne.s32 s17, $0x1;
	s17 =	sadd.s32 $0xFFFFFFFF, s17;
	[sflag:s11] =	ssyncadd.s32 $0xFFFFFF80  }
.Ltmp4:
0x35: {  	(pc) =	sbr.rel @p0 .LBB2_10-.Ltmp4, $3  }
0x36: {  	_ =	sdelay $0x1  }
0x37: {  	_ =	swait.ge [sflag:s11], $0x80  }
0x38: {  	[sflag:s11] =	ssyncset.done $0x0  }
0x39: {  	[sflag:s11] =	ssyncadd.s32 $0xFFFFFF80  }
.LBB2_12:
0x3a: {  	p0 =	sne.s32 s16, $0x1  }
.Ltmp5:
0x3b: {  	_ = 	snop;
	(pc) =	sbr.rel @p0 .LBB2_12-.Ltmp5, $4  }
0x3c: {  	_ = 	snop  }
0x3d: {  	_ =	swait.ge [sflag:s11], $0x80  }
0x3e: {  	[sflag:s11] =	ssyncset.done $0x0  }
0x3f: {  	s16 =	sadd.s32 $0xFFFFFFFF, s16;
	[sflag:s11] =	ssyncadd.s32 $0xFFFFFF80  }
0x40: {  	_ =	swait.ge [sflag:s11], $0x80  }
0x41: {  	s16 =	simm.s32 $0x3F;
	[sflag:s11] =	ssyncset.done $0x0  }
.LBB2_14:
0x42: {  	p0 =	sne.s32 s16, $0x1;
	s16 =	sadd.s32 $0xFFFFFFFF, s16;
	[sflag:s11] =	ssyncadd.s32 $0xFFFFFF80  }
.Ltmp6:
0x43: {  	(pc) =	sbr.rel @p0 .LBB2_14-.Ltmp6, $3  }
0x44: {  	_ =	sdelay $0x1  }
0x45: {  	_ =	swait.ge [sflag:s11], $0x80  }
0x46: {  	[sflag:s11] =	ssyncset.done $0x0  }
0x47: {  	[sflag:s11] =	ssyncadd.s32 $0xFFFFFF80  }
0x48: {  	[hbm4b:s4+s2] =	stream.linear.scatter [tilespmem:s12], [sflag:$0x2], $0x2000, $0x38;
	[tilespmem:$0xC000] =	vst v63  }
0x49: {  	_ =	swait.ge [sflag:s9], $0x2000  }
0x4a: {  	[sflag:s9] =	ssyncset.done $0x0  }
0x4b: {  	[sflag:s9] =	ssyncadd.s32 $0xFFFFE000  }
0x4c: {  	[hbm4b:s6+s2] =	stream.linear.scatter [tilespmem:s13], [sflag:$0x2], $0x2000, $0x38;
	[tilespmem:$0xC000] =	vst v63  }
0x4d: {  	s15 =	sadd.s32 $0x1, s15;
	_ =	swait.ge [sflag:s9], $0x2000  }
0x4e: {  	p0 =	sne.s32 s15, s8;
	[sflag:s9] =	ssyncset.done $0x0  }
.Ltmp7:
0x4f: {  	[sflag:s9] =	ssyncadd.s32 $0xFFFFE000;
	(pc) =	sbr.rel @p0 .LBB2_1-.Ltmp7, $4  }
0x50: {  	[hbm4b:s7+s2] =	stream.linear.scatter [tilespmem:s14], [sflag:$0x2], $0x2000, $0x38;
	[tilespmem:$0xC000] =	vst v63  }
0x51: {  	_ =	swait.ge [sflag:s9], $0x2000  }
0x52: {  	[sflag:s9] =	ssyncset.done $0x0  }
0x53: {  	[sflag:s9] =	ssyncadd.s32 $0xFFFFE000  }
0x54: {  	_ =	sfence.sel $0x180000  }
0x55: {  	[bflag:$0x0] =	sbarrier.arrive $0xFFFF  }
0x56: {  	p0 =	sne.s32 s1, $0x0;
	_ =	strace $0x9000004A  }
0x57: {  	s0 =	sadd.s32 @!p0 $0x100000, s0;
	[bflag:$0x2] =	sbarrier.arrive $0xFFFF  }
0x58: {  	[sflag:s0] =	ssyncadd.tile.s32 @!p0 $0x1;
	_ =	shalt  }
.Lfunc_end2:
_tile_overlayer_lowered:
.L_overlay_start_2:
0x59: {  	(tag) =	ssettag $0x2  }
0x5a: {  	s0 =	rddreg [dreg:$0x0];
	s2 =	stileid.u32  }
0x5b: {  	s1 =	rddreg [dreg:$0x1];
	p0 =	sne.s32 s2, $0x0  }
0x5c: {  	s3 =	rddreg [dreg:$0x2];
	[bflag:$0x3] =	sbarrier.arrive $0xFFFF;
	s2 =	simm.s32 @!p0 $0x1C02  }
0x5d: {  	[timem:s3], [sflag:s2] =	dma.local @!p0 [hbm:s0], s1  }
0x5e: {  	s0 =	simm.s32 @!p0 $0x2  }
0x5f: {  	_ =	swait.ge @!p0 [sflag:s0], s1  }
0x60: {  	s1 =	ssub.s32 @!p0 $0x0, s1;
	[sflag:s0] =	ssyncset.done @!p0 $0x0  }
0x61: {  	[sflag:s0] =	ssyncadd.s32 @!p0 s1  }
0x62: {  	[bflag:$0x3] =	sbarrier.arrive $0xFFFF  }
0x63: {  	_ =	shalt  }

// kernel: sparse-core-data-format-call.cloned.1.call-start
scs
called_computation_lowered:
.L_overlay_start_0:
0x0: {  	s1 =	sld [smem:$0x3FD9]  }
0x1: {  	s2 =	sld [smem:$0x3FFE];
	_ =	sdelay $0x1  }
0x2: {  	s3 =	srdreg.scid  }
0x3: {  	s0 =	sand.u32 $0x1, s3  }
0x4: {  	s17 =	sshll.u32 s0, $0xA;
	s1 =	sadd.s32 s2, s1  }
0x5: {  	s1 =	sadd.s32 s1, s17  }
0x6: {  	[smem:$0x3FC4] =	sst s1  }
0x7: {  	_ = 	snop  }
0x8: {  	(tm) =	ssettm $0x1  }
0x9: {  	s18 =	sld [smem:$0x3FFB];
	_ =	sdelay $0x3  }
0xa: {  	_ =	strace s18  }
0xb: {  	s1 =	sld [smem:$0x3FFC];
	_ =	sdelay $0x3  }
0xc: {  	_ =	strace s1  }
0xd: {  	s1 =	sld [smem:$0x3FFD];
	_ =	sdelay $0x3  }
0xe: {  	_ =	strace s1  }
0xf: {  	_ =	strace $0x8FFFFFFF  }
0x10: {  	s19 =	sld [smem:$0x3FDB];
	_ =	sdelay $0x1  }
0x11: {  	s20 =	simm.s32 $_scs_section_size  }
0x12: {  	s4 =	simm.s32 $_size__tile_overlayer_lowered;
	s5 =	simm.s32 $_tile_overlayer_lowered  }
0x13: {  	s23 =	simm.s32 $0x1BFF;
	s22 =	sshll.u32 s5, $0x1;
	s1 =	sadd.s32 s20, s19  }
0x14: {  	s6 =	simm.s32 $0x0;
	s21 =	sshll.u32 s4, $0x1;
	s4 =	sadd.s32 s22, s1  }
0x15: {  	[timem:s6], [sflag:s23] =	dma.local [hbm:s4], s21  }
0x16: {  	_ =	swait.ge [sflag:s23], s21  }
0x17: {  	s2 =	ssub.s32 $0x0, s21;
	[sflag:s23] =	ssyncset.done $0x0  }
0x18: {  	[sflag:s23] =	ssyncadd.s32 s2;
	_ =	sdelay $0x1  }
0x19: {  	s24 =	simm.s32 $0x1B8B  }
0x1a: {  	_ =	swait.ge [sflag:s24], $0x1  }
0x1b: {  	[sflag:s24] =	ssyncset.done $0x0  }
0x1c: {  	s26 =	simm.s32 $0x1B8E;
	s25 =	sld [smem:$0x3FFE];
	[sflag:s24] =	ssyncadd.s32 $0xFFFFFFFF  }
0x1d: {  	s27 =	simm.s32 $execute0_lowered;
	[smem:$0x3FD2] =	sst s26  }
0x1e: {  	s4 =	sshll.u32 s27, $0x1;
	_ =	strace $0x80000046;
	[dreg:$0x1] =	wrdreg $0xFFFFFFFF  }
0x1f: {  	s28 =	simm.s32 $_size_execute0_lowered;
	s1 =	sadd.s32 s1, s4;
	[dreg:$0x0] =	wrdreg $0x0  }
0x20: {  	s4 =	sshll.u32 s28, $0x1;
	[dreg:$0x2] =	wrdreg s1  }
0x21: {  	[dreg:$0x3] =	wrdreg s4  }
0x22: {  	[dreg:$0x4] =	wrdreg $0xC0  }
0x23: {  	_ =	task [dreg:s6], $0x5FFFF  }
0x24: {  	[dreg:$0x1] =	wrdreg $0xFFFFFFFF  }
0x25: {  	[dreg:$0x0] =	wrdreg $0x60  }
0x26: {  	[dreg:$0x2] =	wrdreg s25  }
0x27: {  	[dreg:$0x3] =	wrdreg $0x9  }
0x28: {  	_ =	task.clear_ibuf [dreg:s6], $0x4FFFF;
	_ =	strace $0x90000046  }
0x29: {  	s29 =	simm.s32 $0x9;
	_ =	strace $0x80000048  }
0x2a: {  	_ =	swait.ge [sflag:s29], $0x1  }
0x2b: {  	[sflag:s29] =	ssyncadd.s32 $0xFFFFFFFF  }
0x2c: {  	_ =	strace $0x90000048  }
0x2d: {  	_ =	sfence  }
0x2e: {  	s30 =	sld [smem:$0x0];
	_ =	sdelay $0x2  }
0x2f: {  	s31 =	sshll.u32 s3, $0xD;
	s3 =	sshrl.u32 s3, $0x2  }
0x30: {  	s2 =	sand.u32 $0x4000, s31;
	s1 =	sadd.s32 s3, s30  }
0x31: {  	s0 =	sor.u32 s2, s0;
	s1 =	sshll.u32 s1, $0x11  }
0x32: {  	s0 =	sor.u32 s1, s0  }
0x33: {  	s0 =	sadd.s32 $0x8F2B, s0  }
0x34: {  	[sflag:s0] =	ssyncadd.remote.s32 $0x1  }
0x35: {  	_ =	sfence.sel $0xFFFF  }
0x36: {  	[dreg:$0x0] =	wrdreg $0xFFFFFFFF;
	(pc) =	sbr.abs _section_cstart, $3  }
0x37: {  	[dreg:$0x1] =	wrdreg $0xFFFFFFFF  }
0x38: {  	_ =	task.clear_ibuf [dreg:s6], $0x2FFFF;
	_ =	strace $0x9FFFFFFF  }
0x39: {  	(tm) =	ssettm $0x7FFFFFFF  }
tec
execute0_lowered:
.L_overlay_start_1:
0x0: {  	(tag) =	ssettag $0x1  }
0x1: {  	s0 =	srdreg.scid  }
0x2: {  	s1 =	sshll.u32 s0, $0x4  }
0x3: {  	s0 =	stileid.u32;
	s1 =	sand.u32 $0x10, s1  }
0x4: {  	s5 =	rddreg [dreg:$0x0];
	s4 =	simm.s32 $0x1;
	s1 =	sor.u32 s0, s1  }
0x5: {  	s31 =	simm.s32 $0x2;
	s14 =	simm.s32 $0x0;
	s2 =	sshll.u32 s1, $0x7  }
0x6: {  	s8 =	simm.s32 $0x100;
	s9 =	simm.s32 $0x28000;
	s3 =	ssub.s32 $0x1000, s2  }
0x7: {  	s10 =	simm.s32 $0x0;
	s13 =	simm.s32 $0x0;
	s30 =	sand.u32 $0xF80, s3  }
0x8: {  	s11 =	simm.s32 $0x0;
	s12 =	simm.s32 $0x0;
	p0 =	sne.s32 s30, $0x0  }
.Ltmp0:
0x9: {  	s6 =	sshrl.u32 s3, $0xC;
	s4 =	simm.s32 @!p0 $0x0;
	(pc) =	sbr.rel .LBB1_1-.Ltmp0, $4  }
0xa: {  	s21 =	simm.s32 $0x0;
	s1 =	rddreg [dreg:$0x1];
	s4 =	sadd.s32 s4, s6  }
0xb: {  	_ =	strace $0x80000047;
	s3 =	simm.s32 $0x1;
	s4 =	smul.u32 $0x13, s4  }
0xc: {  	s7 =	sadd.s32 s2, s5;
	s5 =	sadd.s32 $0x129200, s5;
	[sflag:s3] =	ssyncpa.u1 $0x0  }
0xd: {  	[sflag:s31] =	ssyncpa.u1 $0x0;
	s6 =	sadd.s32 $0x1200, s7;
	s7 =	sadd.s32 $0x1, s4  }
.LBB1_7:
0xe: {  	s15 =	sadd.s32 $0x2, s11  }
0xf: {  	p1 =	sgt.s32 s15, $0x24  }
0x10: {  	s15 =	simm.s32 @p1 $0x0;
	p1 =	sne.s32 s12, s7  }
.Ltmp1:
0x11: {  	p0 =	slt.u32 s12, $0x2;
	(pc) =	sbr.rel @!p1 .LBB1_8-.Ltmp1, $4  }
0x12: {  	s14 =	simm.s32 @!p0 $0x2  }
0x13: {  	s16 =	sadd.s32 $0x1, s12;
	s13 =	smov.u32 s11;
	_ =	swait.ge @!p0 [sflag:s14], $0x4000  }
0x14: {  	s10 =	sadd.s32 $0x4000, s10;
	s12 =	smov.u32 s16;
	[sflag:s14] =	ssyncset.done @!p0 $0x0  }
0x15: {  	s11 =	smov.u32 s15;
	[sflag:s14] =	ssyncadd.s32 @!p0 $0xFFFFC000;
	s14 =	smov.u32 s2  }
.LBB1_1:
0x16: {  	p0 =	sge.u32 s12, s4  }
0x17: {  	p1 =	sgt.s32 @!p0 s11, $0x23  }
0x18: {  	s15 =	smov.u32 s11;
	s16 =	sshra.s32 @!p0 s11, $0x1F;
	p1 =	por !p1, p0  }
0x19: {  	s16 =	sand.u32 @!p0 s16, s11;
	s15 =	simm.s32 @p1 $0x23  }
0x1a: {  	s15 =	ssub.s32 @!p0 s15, s16  }
0x1b: {  	s31 =	sadd.s32 $0xFFFFFFFF, s12;
	s17 =	sxor.u32 @!p0 $0xFFFFFFFF, s12;
	s15 =	sadd.s32 @!p0 $0xFFFFFFDD, s15  }
0x1c: {  	s18 =	simm.s32 @!p0 $0x400;
	s19 =	simm.s32 @!p0 $0x8000;
	s16 =	sshll.u32 @!p0 s15, $0xD  }
0x1d: {  	p1 =	sgt.s32 @!p0 s15, $0x1;
	s15 =	ssub.s32 @!p0 $0x4000, s16;
	s16 =	sshll.u32 @!p0 s17, $0xE  }
0x1e: {  	p1 =	por !p1, p0;
	s17 =	sshll.u32 @!p0 s11, $0xF;
	s15 =	sand.u32 @!p0 $0x3FFFE000, s15  }
0x1f: {  	s16 =	sand.u32 @!p0 $0x4000, s16;
	s17 =	sadd.s32 @!p0 s17, s6;
	s15 =	simm.s32 @!p1 $0x0  }
0x20: {  	[tilespmem:s16], [sflag:$0x1] =	stream.strided.gather @!p0 [hbm4b:s17+s18], s15, s19, s18, $0x38;
	[tilespmem:$0x10000] =	vst v63  }
0x21: {  	p0 =	sge.u32 s31, s4  }
.Ltmp2:
0x22: {  	_ = 	snop;
	(pc) =	sbr.rel @p0 .LBB1_7-.Ltmp2, $1  }
0x23: {  	_ =	sdelay $0x3  }
0x24: {  	p0 =	sgt.s32 s13, $0x23;
	s15 =	smov.u32 s13;
	s16 =	sshra.s32 s13, $0x1F  }
0x25: {  	s15 =	simm.s32 @!p0 $0x23;
	s16 =	sand.u32 s16, s13  }
0x26: {  	s15 =	ssub.s32 s15, s16  }
0x27: {  	s15 =	sadd.s32 $0xFFFFFFDD, s15  }
0x28: {  	s28 =	sshll.u32 s15, $0xD  }
0x29: {  	s17 =	sshll.u32 s10, $0x2;
	s31 =	sshll.u32 s12, $0xE;
	s16 =	ssub.s32 $0x4000, s28  }
0x2a: {  	s29 =	sand.u32 $0x10000, s17;
	p0 =	sgt.s32 s15, $0x1;
	s15 =	sand.u32 $0x3FFFE000, s16  }
0x2b: {  	p1 =	por $0x1, $0x1;
	s18 =	sshrl.u32 s29, $0x2;
	s15 =	simm.s32 @p0 $0x0  }
0x2c: {  	s17 =	sadd.s32 $0x40, s18;
	s16 =	sadd.s32 $0x8040, s18;
	_ =	swait.ge [sflag:s3], s15  }
0x2d: {  	s30 =	ssub.s32 $0x0, s15;
	s15 =	sand.u32 $0x4000, s31;
	[sflag:s3] =	ssyncset.done $0x0  }
0x2e: {  	s18 =	simm.s32 $0x0;
	s15 =	sor.u32 $0x8000, s15;
	[sflag:s3] =	ssyncadd.s32 s30  }
.LBB1_3:
0x2f: {  	s19 =	sshll.u32 s18, $0xD  }
0x30: {  	s19 =	sand.u32 $0x3FFFE000, s19  }
0x31: {  	s19 =	sadd.s32 s19, s17  }
0x32: {  	v0 =	vmov s19;
	_ =	sdelay $0x4  }
0x33: {  	v6 =	vld.idx.msk [tilespmem:v0+s21+$0x30 ss:$0x1], $0xffff  }
0x34: {  	v7 =	vld.idx.msk [tilespmem:v0+s21+$0xFFFFFFC0 ss:$0x1], $0xffff  }
0x35: {  	v1 =	vld.idx.msk [tilespmem:v0+s21+$0xFFFFFFD0 ss:$0x1], $0xffff  }
0x36: {  	s31 =	sshll.u32 s18, $0x7;
	v2 =	vld.idx.msk [tilespmem:v0+s21+$0xFFFFFFE0 ss:$0x1], $0xffff  }
0x37: {  	s18 =	sand.u32 $0x3FFFFF80, s31;
	v3 =	vld.idx.msk [tilespmem:v0+s21+$0xFFFFFFF0 ss:$0x1], $0xffff  }
0x38: {  	s18 =	sadd.s32 s18, s16;
	v4 =	vld.idx.msk [tilespmem:v0+s21+$0x0 ss:$0x1], $0xffff  }
0x39: {  	v5 =	vld.idx.msk [tilespmem:v0+s21+$0x10 ss:$0x1], $0xffff;
	[tilespmem:s18+$0x30] =	vst v6  }
0x3a: {  	p0 =	por p1, p1;
	s20 =	simm.s32 $0x400;
	s19 =	simm.s32 $0x80;
	[tilespmem:s18+$0xFFFFFFC0] =	vst v7;
	v6 =	vld.idx.msk [tilespmem:v0+s21+$0x20 ss:$0x1], $0xffff  }
.LBB1_4:
0x3b: {  	p1 =	sne.s32 s20, $0x7E00;
	v7 =	vld.idx.msk [tilespmem:v0+s19+$0x30 ss:$0x1], $0xffff;
	[tilespmem:s18+$0xFFFFFFD0] =	vst v1  }
0x3c: {  	v8 =	vld.idx.msk [tilespmem:v0+s19+$0xFFFFFFC0 ss:$0x1], $0xffff;
	[tilespmem:s18+$0xFFFFFFE0] =	vst v2  }
0x3d: {  	v1 =	vld.idx.msk [tilespmem:v0+s19+$0xFFFFFFD0 ss:$0x1], $0xffff;
	[tilespmem:s18+$0xFFFFFFF0] =	vst v3  }
.Ltmp3:
0x3e: {  	v2 =	vld.idx.msk [tilespmem:v0+s19+$0xFFFFFFE0 ss:$0x1], $0xffff;
	[tilespmem:s18+$0x0] =	vst v4;
	(pc) =	sbr.rel @p1 .LBB1_4-.Ltmp3, $4  }
0x3f: {  	v3 =	vld.idx.msk [tilespmem:v0+s19+$0xFFFFFFF0 ss:$0x1], $0xffff;
	[tilespmem:s18+$0x10] =	vst v5  }
0x40: {  	v4 =	vld.idx.msk [tilespmem:v0+s19+$0x0 ss:$0x1], $0xffff;
	[tilespmem:s18+$0x20] =	vst v6;
	s18 =	sadd.s32 $0x100, s18  }
0x41: {  	v5 =	vld.idx.msk [tilespmem:v0+s19+$0x10 ss:$0x1], $0xffff;
	[tilespmem:s18+$0x30] =	vst v7  }
0x42: {  	[tilespmem:s18+$0xFFFFFFC0] =	vst v8;
	v6 =	vld.idx.msk [tilespmem:v0+s19+$0x20 ss:$0x1], $0xffff;
	s19 =	sshra.s32 s20, $0x2;
	s20 =	sadd.s32 $0x200, s20  }
0x43: {  	_ =	sdelay $0x2  }
0x44: {  	[tilespmem:s18+$0xFFFFFFD0] =	vst v1  }
0x45: {  	v56 =	vld.idx.msk [tilespmem:v0+s19+$0x30 ss:$0x1], $0xffff;
	[tilespmem:s18+$0xFFFFFFE0] =	vst v2  }
0x46: {  	v57 =	vld.idx.msk [tilespmem:v0+s19+$0xFFFFFFC0 ss:$0x1], $0xffff;
	[tilespmem:s18+$0xFFFFFFF0] =	vst v3  }
0x47: {  	v58 =	vld.idx.msk [tilespmem:v0+s19+$0xFFFFFFD0 ss:$0x1], $0xffff;
	[tilespmem:s18+$0x0] =	vst v4  }
0x48: {  	v59 =	vld.idx.msk [tilespmem:v0+s19+$0xFFFFFFE0 ss:$0x1], $0xffff;
	[tilespmem:s18+$0x10] =	vst v5  }
0x49: {  	v60 =	vld.idx.msk [tilespmem:v0+s19+$0xFFFFFFF0 ss:$0x1], $0xffff;
	s31 =	sadd.s32 $0x100, s18;
	[tilespmem:s18+$0x20] =	vst v6  }
0x4a: {  	v61 =	vld.idx.msk [tilespmem:v0+s19+$0x0 ss:$0x1], $0xffff;
	[tilespmem:s31+$0x30] =	vst v56  }
0x4b: {  	v62 =	vld.idx.msk [tilespmem:v0+s19+$0x10 ss:$0x1], $0xffff;
	[tilespmem:s31+$0xFFFFFFC0] =	vst v57  }
0x4c: {  	v63 =	vld.idx.msk [tilespmem:v0+s19+$0x20 ss:$0x1], $0xffff;
	[tilespmem:s31+$0xFFFFFFD0] =	vst v58  }
.Ltmp4:
0x4d: {  	[tilespmem:s31+$0xFFFFFFE0] =	vst v59;
	(pc) =	sbr.rel @p0 .LBB1_3-.Ltmp4, $4  }
0x4e: {  	[tilespmem:s31+$0xFFFFFFF0] =	vst v60  }
0x4f: {  	[tilespmem:s31+$0x0] =	vst v61  }
0x50: {  	[tilespmem:s31+$0x10] =	vst v62  }
0x51: {  	p1 =	por $0x0, $0x0;
	s18 =	simm.s32 $0x1;
	[tilespmem:s31+$0x20] =	vst v63  }
0x52: {  	s16 =	sshll.u32 s13, $0xC  }
0x53: {  	s14 =	sshll.u32 s14, $0x3;
	s16 =	sand.u32 $0xFFFF8000, s16  }
0x54: {  	s16 =	sadd.s32 s14, s16  }
0x55: {  	s16 =	sshrl.u32 s16, $0xC  }
0x56: {  	s17 =	smulhi.u32 $0x6666667, s16  }
0x57: {  	s30 =	sshll.u32 s13, $0x7  }
0x58: {  	s13 =	sand.u32 $0x380, s30;
	s14 =	sand.u32 $0xC00, s14;
	s17 =	smul.u32 $0x28, s17  }
.Ltmp5:
0x59: {  	s13 =	sor.u32 s13, s14;
	(pc) =	sbr.rel .LBB1_7-.Ltmp5, $4  }
0x5a: {  	s13 =	sshrl.u32 s13, $0x3;
	s31 =	ssub.s32 s16, s17  }
0x5b: {  	s13 =	sadd.s32 s5, s13;
	s14 =	sshll.u32 s31, $0x9  }
0x5c: {  	s13 =	sadd.s32 s14, s13  }
0x5d: {  	[hbm4b:s13+s8] =	stream.strided.scatter [tilespmem:s15], [sflag:$0x2], $0x4000, s9, s8, $0x38;
	[tilespmem:$0x10000] =	vst v63  }
.LBB1_8:
0x5e: {  	_ =	sfence.sel $0x180000  }
0x5f: {  	s2 =	simm.s32 $0x1;
	[bflag:$0x0] =	sbarrier.arrive $0xFFFF  }
0x60: {  	s31 =	simm.s32 $0x2;
	[sflag:s2] =	ssyncpa.u1 $0x1  }
0x61: {  	[sflag:s31] =	ssyncpa.u1 $0x1  }
0x62: {  	p0 =	sne.s32 s0, $0x0;
	_ =	strace $0x90000047  }
0x63: {  	s0 =	sadd.s32 @!p0 $0x100000, s1;
	[bflag:$0x2] =	sbarrier.arrive $0xFFFF  }
0x64: {  	[sflag:s0] =	ssyncadd.tile.s32 @!p0 $0x1;
	_ =	shalt  }
.Lfunc_end1:
_tile_overlayer_lowered:
.L_overlay_start_2:
0x65: {  	(tag) =	ssettag $0x2  }
0x66: {  	s0 =	rddreg [dreg:$0x0];
	s2 =	stileid.u32  }
0x67: {  	s1 =	rddreg [dreg:$0x1];
	p0 =	sne.s32 s2, $0x0  }
0x68: {  	s3 =	rddreg [dreg:$0x2];
	[bflag:$0x3] =	sbarrier.arrive $0xFFFF;
	s2 =	simm.s32 @!p0 $0x1C01  }
0x69: {  	[timem:s3], [sflag:s2] =	dma.local @!p0 [hbm:s0], s1  }
0x6a: {  	s0 =	simm.s32 @!p0 $0x1  }
0x6b: {  	_ =	swait.ge @!p0 [sflag:s0], s1  }
0x6c: {  	s1 =	ssub.s32 @!p0 $0x0, s1;
	[sflag:s0] =	ssyncset.done @!p0 $0x0  }
0x6d: {  	[sflag:s0] =	ssyncadd.s32 @!p0 s1  }
0x6e: {  	[bflag:$0x3] =	sbarrier.arrive $0xFFFF  }
0x6f: {  	_ =	shalt  }

</sc_bundles>
